<compile_context>
chip_gen: v7x
topology: tpu7x:2x2x1
jax: 0.10.2.dev20260603
libtpu: 0.0.44.dev20260713+nightly
codegen_flags: <defaults>
</compile_context>

<pallas_src>
import functools

import jax
import jax.numpy as jnp
from jax import lax
from jax.experimental import pallas as pl
from jax.experimental.pallas import tpu as pltpu
from jax.experimental.pallas import tpu_sc as plsc

_TS = 8192


def _sim_body(q_ref, kt_ref, max_ref, arg_ref, qt_ref, qn_ref):
    i = pl.program_id(0)

    @pl.when(i == 0)
    def _():
        qt_ref[...] = q_ref[...].T
        qt0 = qt_ref[...]
        qn_ref[...] = jnp.sqrt(jnp.sum(qt0 * qt0, axis=0, keepdims=True))

    qt = qt_ref[...]
    kt = kt_ref[...]

    num = lax.dot_general(
        kt, qt, (((1,), (0,)), ((), ())),
        preferred_element_type=jnp.float32,
        precision=lax.Precision.DEFAULT,
    )
    kn = jnp.sqrt(jnp.sum(kt * kt, axis=1, keepdims=True))
    qn = qn_ref[...]
    cos = num / (qn * kn)
    tmax = jnp.max(cos, axis=0)
    targ = jnp.argmax(cos, axis=0).astype(jnp.int32) + i * _TS

    @pl.when(i == 0)
    def _():
        max_ref[...] = tmax
        arg_ref[...] = targ

    @pl.when(i > 0)
    def _():
        run = max_ref[...]
        better = tmax > run
        max_ref[...] = jnp.where(better, tmax, run)
        arg_ref[...] = jnp.where(better, targ, arg_ref[...])


def _top1(query, keys):
    B, K = query.shape
    S = keys.shape[0]
    return pl.pallas_call(
        _sim_body,
        grid=(S // _TS,),
        in_specs=[
            pl.BlockSpec((B, K), lambda i: (0, 0)),
            pl.BlockSpec((_TS, K), lambda i: (i, 0)),
        ],
        out_specs=[
            pl.BlockSpec((B,), lambda i: (0,)),
            pl.BlockSpec((B,), lambda i: (0,)),
        ],
        out_shape=[
            jax.ShapeDtypeStruct((B,), jnp.float32),
            jax.ShapeDtypeStruct((B,), jnp.int32),
        ],
        scratch_shapes=[
            pltpu.VMEM((K, B), jnp.float32),
            pltpu.VMEM((1, B), jnp.float32),
        ],
        compiler_params=pltpu.CompilerParams(
            dimension_semantics=("arbitrary",)),
    )(query, keys)


def _sc_gather(values, errors, idx):
    info = plsc.get_sparse_core_info()
    NC, NS = info.num_cores, info.num_subcores
    NW = NC * NS
    B = idx.shape[0]
    V = values.shape[1]
    BPW = B // NW

    mesh = plsc.VectorSubcoreMesh(core_axis_name="c", subcore_axis_name="s")

    @functools.partial(
        pl.kernel,
        out_type=(
            jax.ShapeDtypeStruct((B, V), jnp.float32),
            jax.ShapeDtypeStruct((B,), jnp.float32),
        ),
        mesh=mesh,
        scratch_types=[
            pltpu.VMEM((BPW,), jnp.int32),
            pltpu.VMEM((BPW, V), jnp.float32),
            pltpu.VMEM((BPW,), jnp.float32),
            pltpu.SemaphoreType.DMA,
            pltpu.SemaphoreType.DMA,
        ],
    )
    def k(values_hbm, errors_hbm, idx_hbm, cont_out, err_out,
          idx_v, rows_v, errs_v, sem, sem2):
        wid = lax.axis_index("s") * NC + lax.axis_index("c")
        base = wid * BPW
        pltpu.sync_copy(idx_hbm.at[pl.ds(base, BPW)], idx_v)
        c1 = pltpu.async_copy(values_hbm.at[idx_v], rows_v, sem)
        c2 = pltpu.async_copy(errors_hbm.at[idx_v], errs_v, sem2)
        c1.wait()
        c2.wait()
        pltpu.sync_copy(rows_v, cont_out.at[pl.ds(base, BPW)])
        pltpu.sync_copy(errs_v, err_out.at[pl.ds(base, BPW)])

    return k(values, errors, idx)


def kernel(query, keys, values, errors, ages):
    maxv, argv = _top1(query, keys)
    contents, error_slot = _sc_gather(values, errors, argv)
    return contents, error_slot, maxv

# --- scband reference (transcript-rebuilt; emitter-appended) ---
"""Pipeline reference for scband-mem-net-e2-e-66941360275674 (READ-ONLY COPY).

The authoritative reference and input builder live on the scoring server;
editing this copy changes nothing except your own understanding.
"""

import jax, jax.numpy as jnp
import numpy as np

B = 1024      # n_batch
S = 65536     # num_slots
K = 128       # key_size
V = 128       # value_size


def setup_inputs(seed: int = 0) -> dict:
    key = jax.random.key(seed)
    k1, k2, k3 = jax.random.split(key, 3)
    query = jax.random.normal(k1, (B, K), dtype=jnp.float32)
    # module init: keys/values ~ torch.rand (uniform [0,1)); ages/errors zeros
    keys = jax.random.uniform(k2, (S, K), dtype=jnp.float32)
    values = jax.random.uniform(k3, (S, V), dtype=jnp.float32)
    errors = jnp.zeros((S,), dtype=jnp.float32)
    ages = jnp.zeros((S,), dtype=jnp.float32)
    return {"query": query, "keys": keys, "values": values, "errors": errors, "ages": ages}


def reference(query, keys, values, errors, ages):
    # read_mem with default read_mode='nn1', content_avg=True
    eps = 1e-8  # torch.cosine_similarity default eps
    q_norm = jnp.linalg.norm(query, axis=1, keepdims=True)   # [B,1]
    k_norm = jnp.linalg.norm(keys, axis=1, keepdims=True)    # [S,1]
    num = query @ keys.T                                      # [B,S]
    denom = jnp.maximum(q_norm * k_norm.T, eps)
    key_by_query = num / denom                                # cosine similarity [B,S]

    topk = 1
    val, read_pos = jax.lax.top_k(key_by_query, topk)         # [B,1]
    # (ages[read_pos] += 1 is a no_grad side effect on a buffer; not part of output)

    contents = values[read_pos]                               # [B,1,V] gather
    error_slot = errors[read_pos]                             # [B,1] gather
    similarity_slot = jnp.max(key_by_query, axis=1)           # [B]

    contents = jnp.mean(contents, axis=1)                     # content_avg -> [B,V]
    error_slot = jnp.mean(error_slot, axis=1)                 # [B]

    # torch: .detach() on all outputs
    contents = jax.lax.stop_gradient(contents)
    error_slot = jax.lax.stop_gradient(error_slot)
    similarity_slot = jax.lax.stop_gradient(similarity_slot)
    return contents, error_slot, similarity_slot

if __name__ == "__main__":
    import jax
    _d = setup_inputs()
    print(jax.jit(kernel)(*tuple(_d.values())))

</pallas_src>

<mosaic_0001>
#map = affine_map<(d0, d1) -> (0, 0)>
#map1 = affine_map<(d0, d1) -> (0)>
module attributes {stable_mosaic.version = 14 : i64} {
  func.func @k(%arg0: i32, %arg1: i32, %arg2: memref<65536x128xf32, #tpu.memory_space<hbm>>, %arg3: memref<65536xf32, #tpu.memory_space<hbm>>, %arg4: memref<1024xi32, #tpu.memory_space<hbm>>, %arg5: memref<1024x128xf32, #tpu.memory_space<hbm>>, %arg6: memref<1024xf32, #tpu.memory_space<hbm>>, %arg7: memref<32xi32, #tpu.memory_space<vmem>>, %arg8: memref<32x128xf32, #tpu.memory_space<vmem>>, %arg9: memref<32xf32, #tpu.memory_space<vmem>>, %arg10: memref<!tpu.dma_semaphore, #tpu.memory_space<semaphore_mem>>, %arg11: memref<!tpu.dma_semaphore, #tpu.memory_space<semaphore_mem>>) attributes {dimension_semantics = [#tpu.dimension_semantics<core_parallel>, #tpu.dimension_semantics<subcore_parallel>], iteration_bounds = array<i64: 2, 16>, scalar_prefetch = 0 : i64, scratch_operands = 5 : i64, tpu.core_type = #tpu.core_type<sc_vector_subcore>, window_params = [{transform_indices = #map}, {transform_indices = #map1}, {transform_indices = #map1}, {transform_indices = #map}, {transform_indices = #map1}]} {
    %mul3A = arith.constant 2 : i32
    %mul3A_0 = arith.muli %arg1, %mul3A : i32
    %add3A = arith.addi %mul3A_0, %arg0 : i32
    %mul3A_1 = arith.constant 32 : i32
    %mul3A_2 = arith.muli %add3A, %mul3A_1 : i32
    "tpu.region"() ({
      %run_scoped3A = tpu.sem_alloc : memref<!tpu.dma_semaphore, #tpu.memory_space<semaphore_mem>>
      %dma_start3A_11 = tpu.memref_slice %arg4[%mul3A_2] : memref<1024xi32, #tpu.memory_space<hbm>> -> memref<32xi32, #tpu.memory_space<hbm>>
      %dma_start3A_12 = tpu.memref_slice %arg4[%mul3A_2] : memref<1024xi32, #tpu.memory_space<hbm>> -> memref<32xi32, #tpu.memory_space<hbm>>
      tpu.enqueue_dma source(%dma_start3A_12 : memref<32xi32, #tpu.memory_space<hbm>>) target(%arg7 : memref<32xi32, #tpu.memory_space<vmem>>) target_semaphore(%run_scoped3A : memref<!tpu.dma_semaphore, #tpu.memory_space<semaphore_mem>>)
      %dma_wait3A_13 = tpu.memref_slice %arg4[%mul3A_2] : memref<1024xi32, #tpu.memory_space<hbm>> -> memref<32xi32, #tpu.memory_space<hbm>>
      %dma_wait3A_14 = tpu.memref_slice %arg4[%mul3A_2] : memref<1024xi32, #tpu.memory_space<hbm>> -> memref<32xi32, #tpu.memory_space<hbm>>
      tpu.wait_dma2 semaphore(%run_scoped3A : memref<!tpu.dma_semaphore, #tpu.memory_space<semaphore_mem>>) src(%dma_wait3A_14 : memref<32xi32, #tpu.memory_space<hbm>>) dst(%arg7 : memref<32xi32, #tpu.memory_space<vmem>>)
      tpu.yield
    }) : () -> ()
    %dma_start3A = arith.constant 0 : i32
    %dma_start3A_3 = arith.constant 0 : i32
    %dma_start3A_4 = tpu.memref_slice %arg2[%dma_start3A, %dma_start3A_3] : memref<65536x128xf32, #tpu.memory_space<hbm>> -> memref<65536x128xf32, #tpu.memory_space<hbm>>
    tpu.enqueue_indirect_dma source(%dma_start3A_4 : memref<65536x128xf32, #tpu.memory_space<hbm>>) target(%arg8 : memref<32x128xf32, #tpu.memory_space<vmem>>) offsets(%arg7 : memref<32xi32, #tpu.memory_space<vmem>>) semaphore(%arg10 : memref<!tpu.dma_semaphore, #tpu.memory_space<semaphore_mem>>)
    %dma_start3A_5 = arith.constant 0 : i32
    %dma_start3A_6 = tpu.memref_slice %arg3[%dma_start3A_5] : memref<65536xf32, #tpu.memory_space<hbm>> -> memref<65536xf32, #tpu.memory_space<hbm>>
    tpu.enqueue_indirect_dma source(%dma_start3A_6 : memref<65536xf32, #tpu.memory_space<hbm>>) target(%arg9 : memref<32xf32, #tpu.memory_space<vmem>>) offsets(%arg7 : memref<32xi32, #tpu.memory_space<vmem>>) semaphore(%arg11 : memref<!tpu.dma_semaphore, #tpu.memory_space<semaphore_mem>>)
    %dma_wait3A = arith.constant 0 : i32
    %dma_wait3A_7 = arith.constant 0 : i32
    %dma_wait3A_8 = tpu.memref_slice %arg2[%dma_wait3A, %dma_wait3A_7] : memref<65536x128xf32, #tpu.memory_space<hbm>> -> memref<65536x128xf32, #tpu.memory_space<hbm>>
    tpu.wait_indirect_dma semaphore(%arg10 : memref<!tpu.dma_semaphore, #tpu.memory_space<semaphore_mem>>) src(%dma_wait3A_8 : memref<65536x128xf32, #tpu.memory_space<hbm>>) dst(%arg8 : memref<32x128xf32, #tpu.memory_space<vmem>>)
    %dma_wait3A_9 = arith.constant 0 : i32
    %dma_wait3A_10 = tpu.memref_slice %arg3[%dma_wait3A_9] : memref<65536xf32, #tpu.memory_space<hbm>> -> memref<65536xf32, #tpu.memory_space<hbm>>
    tpu.wait_indirect_dma semaphore(%arg11 : memref<!tpu.dma_semaphore, #tpu.memory_space<semaphore_mem>>) src(%dma_wait3A_10 : memref<65536xf32, #tpu.memory_space<hbm>>) dst(%arg9 : memref<32xf32, #tpu.memory_space<vmem>>)
    "tpu.region"() ({
      %run_scoped3A = tpu.sem_alloc : memref<!tpu.dma_semaphore, #tpu.memory_space<semaphore_mem>>
      %dma_start3A_11 = arith.constant 0 : i32
      %dma_start3A_12 = tpu.memref_slice %arg5[%mul3A_2, %dma_start3A_11] : memref<1024x128xf32, #tpu.memory_space<hbm>> -> memref<32x128xf32, #tpu.memory_space<hbm>>
      %dma_start3A_13 = arith.constant 0 : i32
      %dma_start3A_14 = tpu.memref_slice %arg5[%mul3A_2, %dma_start3A_13] : memref<1024x128xf32, #tpu.memory_space<hbm>> -> memref<32x128xf32, #tpu.memory_space<hbm>>
      tpu.enqueue_dma source(%arg8 : memref<32x128xf32, #tpu.memory_space<vmem>>) target(%dma_start3A_14 : memref<32x128xf32, #tpu.memory_space<hbm>>) target_semaphore(%run_scoped3A : memref<!tpu.dma_semaphore, #tpu.memory_space<semaphore_mem>>)
      %dma_wait3A_15 = arith.constant 0 : i32
      %dma_wait3A_16 = tpu.memref_slice %arg5[%mul3A_2, %dma_wait3A_15] : memref<1024x128xf32, #tpu.memory_space<hbm>> -> memref<32x128xf32, #tpu.memory_space<hbm>>
      %dma_wait3A_17 = arith.constant 0 : i32
      %dma_wait3A_18 = tpu.memref_slice %arg5[%mul3A_2, %dma_wait3A_17] : memref<1024x128xf32, #tpu.memory_space<hbm>> -> memref<32x128xf32, #tpu.memory_space<hbm>>
      tpu.wait_dma2 semaphore(%run_scoped3A : memref<!tpu.dma_semaphore, #tpu.memory_space<semaphore_mem>>) src(%arg8 : memref<32x128xf32, #tpu.memory_space<vmem>>) dst(%dma_wait3A_18 : memref<32x128xf32, #tpu.memory_space<hbm>>)
      tpu.yield
    }) : () -> ()
    "tpu.region"() ({
      %run_scoped3A = tpu.sem_alloc : memref<!tpu.dma_semaphore, #tpu.memory_space<semaphore_mem>>
      %dma_start3A_11 = tpu.memref_slice %arg6[%mul3A_2] : memref<1024xf32, #tpu.memory_space<hbm>> -> memref<32xf32, #tpu.memory_space<hbm>>
      %dma_start3A_12 = tpu.memref_slice %arg6[%mul3A_2] : memref<1024xf32, #tpu.memory_space<hbm>> -> memref<32xf32, #tpu.memory_space<hbm>>
      tpu.enqueue_dma source(%arg9 : memref<32xf32, #tpu.memory_space<vmem>>) target(%dma_start3A_12 : memref<32xf32, #tpu.memory_space<hbm>>) target_semaphore(%run_scoped3A : memref<!tpu.dma_semaphore, #tpu.memory_space<semaphore_mem>>)
      %dma_wait3A_13 = tpu.memref_slice %arg6[%mul3A_2] : memref<1024xf32, #tpu.memory_space<hbm>> -> memref<32xf32, #tpu.memory_space<hbm>>
      %dma_wait3A_14 = tpu.memref_slice %arg6[%mul3A_2] : memref<1024xf32, #tpu.memory_space<hbm>> -> memref<32xf32, #tpu.memory_space<hbm>>
      tpu.wait_dma2 semaphore(%run_scoped3A : memref<!tpu.dma_semaphore, #tpu.memory_space<semaphore_mem>>) src(%arg9 : memref<32xf32, #tpu.memory_space<vmem>>) dst(%dma_wait3A_14 : memref<32xf32, #tpu.memory_space<hbm>>)
      tpu.yield
    }) : () -> ()
    return
  }
}

module attributes {stable_mosaic.version = 14 : i64} {
  func.func @_sim_body(%arg0: i32, %arg1: memref<1024x128xf32, #tpu.memory_space<vmem>>, %arg2: memref<8192x128xf32, #tpu.memory_space<vmem>>, %arg3: memref<1024xf32, #tpu.memory_space<vmem>>, %arg4: memref<1024xi32, #tpu.memory_space<vmem>>, %arg5: memref<128x1024xf32, #tpu.memory_space<vmem>>, %arg6: memref<1x1024xf32, #tpu.memory_space<vmem>>) attributes {dimension_semantics = [#tpu.dimension_semantics<arbitrary>], iteration_bounds = array<i64: 8>, scalar_prefetch = 0 : i64, scratch_operands = 2 : i64, tpu.core_type = #tpu.core_type<tc>, window_params = [{pipeline_mode = #tpu.pipeline_mode<synchronous>, transform_indices = @transform_0, window_bounds = array<i64: 1024, 128>}, {transform_indices = @transform_1, window_bounds = array<i64: 8192, 128>}, {pipeline_mode = #tpu.pipeline_mode<synchronous>, transform_indices = @transform_2, window_bounds = array<i64: 1024>}, {pipeline_mode = #tpu.pipeline_mode<synchronous>, transform_indices = @transform_3, window_bounds = array<i64: 1024>}]} {
    %eq3A = arith.constant 0 : i32
    %eq3A_0 = arith.cmpi eq, %arg0, %eq3A : i32
    %convert_element_type3A = arith.extui %eq3A_0 : i1 to i32
    %cond3A = arith.constant 0 : i32
    %cond3A_1 = arith.cmpi ne, %convert_element_type3A, %cond3A : i32
    scf.if %cond3A_1 {
      %get3A_28 = arith.constant 0 : index
      %get3A_29 = arith.constant 0 : index
      %get3A_30 = vector.load %arg1[%get3A_28, %get3A_29] : memref<1024x128xf32, #tpu.memory_space<vmem>>, vector<1024x128xf32>
      %transpose3A = tpu.transpose %get3A_30, [1, 0] : vector<1024x128xf32> -> vector<128x1024xf32>
      %swap3A = arith.constant 0 : index
      %swap3A_31 = arith.constant 0 : index
      %swap3A_32 = vector.load %arg5[%swap3A, %swap3A_31] : memref<128x1024xf32, #tpu.memory_space<vmem>>, vector<128x1024xf32>
      tpu.vector_store %arg5[%swap3A, %swap3A_31], %transpose3A {strides = array<i32>} : memref<128x1024xf32, #tpu.memory_space<vmem>>, vector<128x1024xf32>,
      %get3A_33 = arith.constant 0 : index
      %get3A_34 = arith.constant 0 : index
      %get3A_35 = vector.load %arg5[%get3A_33, %get3A_34] : memref<128x1024xf32, #tpu.memory_space<vmem>>, vector<128x1024xf32>
      %mul3A_36 = arith.mulf %get3A_35, %get3A_35 : vector<128x1024xf32>
      %reduce_sum3A_37 = arith.constant dense<0.000000e+00> : vector<1024xf32>
      %reduce_sum3A_38 = vector.multi_reduction <add>, %mul3A_36, %reduce_sum3A_37 [0] : vector<128x1024xf32> to vector<1024xf32>
      %broadcast_in_dim3A_39 = vector.shape_cast %reduce_sum3A_38 : vector<1024xf32> to vector<1x1024xf32>
      %sqrt3A_40 = math.sqrt %broadcast_in_dim3A_39 : vector<1x1024xf32>
      %swap3A_41 = arith.constant 0 : index
      %swap3A_42 = arith.constant 0 : index
      %swap3A_43 = vector.load %arg6[%swap3A_41, %swap3A_42] : memref<1x1024xf32, #tpu.memory_space<vmem>>, vector<1x1024xf32>
      tpu.vector_store %arg6[%swap3A_41, %swap3A_42], %sqrt3A_40 {strides = array<i32>} : memref<1x1024xf32, #tpu.memory_space<vmem>>, vector<1x1024xf32>,
    } else {
    }
    %get3A = arith.constant 0 : index
    %get3A_2 = arith.constant 0 : index
    %get3A_3 = vector.load %arg5[%get3A, %get3A_2] : memref<128x1024xf32, #tpu.memory_space<vmem>>, vector<128x1024xf32>
    %get3A_4 = arith.constant 0 : index
    %get3A_5 = arith.constant 0 : index
    %get3A_6 = vector.load %arg2[%get3A_4, %get3A_5] : memref<8192x128xf32, #tpu.memory_space<vmem>>, vector<8192x128xf32>
    %dot_general3A = arith.constant dense<0.000000e+00> : vector<8192x1024xf32>
    %dot_general3A_7 = tpu.matmul %get3A_6, %get3A_3, %dot_general3A {dimension_numbers = #tpu.dot_dimension_numbers<[1], [0], [0], [1], [0, 0, 1, 1], [], []>, transpose_lhs_hint = false} : vector<8192x128xf32>, vector<128x1024xf32>, vector<8192x1024xf32> -> vector<8192x1024xf32>
    %mul3A = arith.mulf %get3A_6, %get3A_6 : vector<8192x128xf32>
    %reduce_sum3A = arith.constant dense<0.000000e+00> : vector<8192xf32>
    %reduce_sum3A_8 = vector.multi_reduction <add>, %mul3A, %reduce_sum3A [1] : vector<8192x128xf32> to vector<8192xf32>
    %broadcast_in_dim3A = vector.shape_cast %reduce_sum3A_8 : vector<8192xf32> to vector<8192x1xf32>
    %sqrt3A = math.sqrt %broadcast_in_dim3A : vector<8192x1xf32>
    %get3A_9 = arith.constant 0 : index
    %get3A_10 = arith.constant 0 : index
    %get3A_11 = vector.load %arg6[%get3A_9, %get3A_10] : memref<1x1024xf32, #tpu.memory_space<vmem>>, vector<1x1024xf32>
    %mul3A_12 = vector.broadcast %get3A_11 : vector<1x1024xf32> to vector<8192x1024xf32>
    %mul3A_13 = vector.broadcast %sqrt3A : vector<8192x1xf32> to vector<8192x1024xf32>
    %mul3A_14 = arith.mulf %mul3A_12, %mul3A_13 : vector<8192x1024xf32>
    %div3A = arith.divf %dot_general3A_7, %mul3A_14 : vector<8192x1024xf32>
    %reduce_max3A = arith.constant dense<0xFF800000> : vector<1024xf32>
    %reduce_max3A_15 = vector.multi_reduction <maximumf>, %div3A, %reduce_max3A [0] : vector<8192x1024xf32> to vector<1024xf32>
    %argmax3A = tpu.reduce_index %div3A {axis = 0 : i32, kind = #tpu.reduction_kind<arg_max>} : vector<8192x1024xf32> -> vector<1024xi32>
    %mul3A_16 = arith.constant 8192 : i32
    %mul3A_17 = arith.muli %arg0, %mul3A_16 : i32
    %add3A = vector.broadcast %mul3A_17 : i32 to vector<1024xi32>
    %add3A_18 = arith.addi %argmax3A, %add3A : vector<1024xi32>
    %eq3A_19 = arith.constant 0 : i32
    %eq3A_20 = arith.cmpi eq, %arg0, %eq3A_19 : i32
    %convert_element_type3A_21 = arith.extui %eq3A_20 : i1 to i32
    %cond3A_22 = arith.constant 0 : i32
    %cond3A_23 = arith.cmpi ne, %convert_element_type3A_21, %cond3A_22 : i32
    scf.if %cond3A_23 {
      %swap3A = arith.constant 0 : index
      %swap3A_28 = vector.load %arg3[%swap3A] : memref<1024xf32, #tpu.memory_space<vmem>>, vector<1024xf32>
      tpu.vector_store %arg3[%swap3A], %reduce_max3A_15 {strides = array<i32>} : memref<1024xf32, #tpu.memory_space<vmem>>, vector<1024xf32>,
      %swap3A_29 = arith.constant 0 : index
      %swap3A_30 = vector.load %arg4[%swap3A_29] : memref<1024xi32, #tpu.memory_space<vmem>>, vector<1024xi32>
      tpu.vector_store %arg4[%swap3A_29], %add3A_18 {strides = array<i32>} : memref<1024xi32, #tpu.memory_space<vmem>>, vector<1024xi32>,
    } else {
    }
    %gt3A = arith.constant 0 : i32
    %gt3A_24 = arith.cmpi sgt, %arg0, %gt3A : i32
    %convert_element_type3A_25 = arith.extui %gt3A_24 : i1 to i32
    %cond3A_26 = arith.constant 0 : i32
    %cond3A_27 = arith.cmpi ne, %convert_element_type3A_25, %cond3A_26 : i32
    scf.if %cond3A_27 {
      %get3A_28 = arith.constant 0 : index
      %get3A_29 = vector.load %arg3[%get3A_28] : memref<1024xf32, #tpu.memory_space<vmem>>, vector<1024xf32>
      %gt3A_30 = arith.cmpf ogt, %reduce_max3A_15, %get3A_29 : vector<1024xf32>
      %select_n3A = arith.select %gt3A_30, %reduce_max3A_15, %get3A_29 : vector<1024xi1>, vector<1024xf32>
      %swap3A = arith.constant 0 : index
      %swap3A_31 = vector.load %arg3[%swap3A] : memref<1024xf32, #tpu.memory_space<vmem>>, vector<1024xf32>
      tpu.vector_store %arg3[%swap3A], %select_n3A {strides = array<i32>} : memref<1024xf32, #tpu.memory_space<vmem>>, vector<1024xf32>,
      %get3A_32 = arith.constant 0 : index
      %get3A_33 = vector.load %arg4[%get3A_32] : memref<1024xi32, #tpu.memory_space<vmem>>, vector<1024xi32>
      %select_n3A_34 = arith.select %gt3A_30, %add3A_18, %get3A_33 : vector<1024xi1>, vector<1024xi32>
      %swap3A_35 = arith.constant 0 : index
      %swap3A_36 = vector.load %arg4[%swap3A_35] : memref<1024xi32, #tpu.memory_space<vmem>>, vector<1024xi32>
      tpu.vector_store %arg4[%swap3A_35], %select_n3A_34 {strides = array<i32>} : memref<1024xi32, #tpu.memory_space<vmem>>, vector<1024xi32>,
    } else {
    }
    return
  }
  func.func @transform_0(%arg0: i32) -> (i32, i32) {
    %c0_i32 = arith.constant 0 : i32
    %c0_i32_0 = arith.constant 0 : i32
    %c0_i32_1 = arith.constant 0 : i32
    return %c0_i32, %c0_i32_0 : i32, i32
  }
  func.func @transform_1(%arg0: i32) -> (i32, i32) {
    %c0_i32 = arith.constant 0 : i32
    %c0_i32_0 = arith.constant 0 : i32
    return %arg0, %c0_i32 : i32, i32
  }
  func.func @transform_2(%arg0: i32) -> i32 {
    %c0_i32 = arith.constant 0 : i32
    %c0_i32_0 = arith.constant 0 : i32
    return %c0_i32 : i32
  }
  func.func @transform_3(%arg0: i32) -> i32 {
    %c0_i32 = arith.constant 0 : i32
    %c0_i32_0 = arith.constant 0 : i32
    return %c0_i32 : i32
  }
}

</mosaic_0001>

<sc_bundles>
// kernel: kernel.4.cloned.1.call-start
scs
__scs_entry_jumppad:
0x0: {  	(pc) =	sbr.rel $0x88, $3  }
0x1: {  	(tag) =	ssettag $0x0;
	lr =	simm.s32 $0x1  }
0x2: {  	[smem:$0x3F9D] =	sst lr;
	_ =	strace $0xD0000000  }
0x3: {  	_ = 	snop  }
0x4: {  	_ = 	snop  }
0x5: {  	_ = 	snop  }
0x6: {  	_ = 	snop  }
0x7: {  	_ = 	snop  }
__scs_overlays_trampoline_lowered:
0x8: {  	[smem:$0x3FAC] =	sst s0  }
0x9: {  	[smem:$0x3FAD] =	sst s1  }
0xa: {  	[smem:$0x3FAE] =	sst s2  }
0xb: {  	[smem:$0x3FAF] =	sst s3  }
0xc: {  	[smem:$0x3FB0] =	sst s4  }
0xd: {  	[smem:$0x3FB1] =	sst s5  }
0xe: {  	[smem:$0x3FB2] =	sst s6  }
0xf: {  	[smem:$0x3FB3] =	sst s7  }
0x10: {  	[smem:$0x3FB4] =	sst s8  }
0x11: {  	[smem:$0x3FB5] =	sst s9;
	s0 =	simm.s32 @!p0 $0x0  }
0x12: {  	s1 =	sld [smem:$0x3F9B];
	s0 =	simm.s32 @p0 $0x1  }
0x13: {  	[smem:$0x3FB6] =	sst s0;
	s0 =	simm.s32 @!p1 $0x0  }
0x14: {  	s2 =	sld [smem:$0x3F9A];
	s0 =	simm.s32 @p1 $0x1  }
0x15: {  	[smem:$0x3FB7] =	sst s0;
	s0 =	simm.s32 @!p2 $0x0  }
0x16: {  	s3 =	sld [smem:$0x3FDB];
	s0 =	simm.s32 @p2 $0x1  }
0x17: {  	s4 =	simm.s32 $0x1BF5;
	[smem:$0x3FB9] =	sst s0  }
0x18: {  	s0 =	sld [smem:$0x3F9C];
	_ =	swait.ge [sflag:s4], $0x0  }
0x19: {  	s7 =	sld [smem:$0x3F9D]  }
0x1a: {  	s8 =	sadd.s32 $0xFFFFE003, lr  }
0x1b: {  	s9 =	sadd.s32 $0xFFFFFEF7, lr;
	s5 =	simm.s32 $0xFFFFFFFF;
	p2 =	slt.u32 s8, $0xFFFFF086  }
0x1c: {  	p1 =	slt.u32 s9, $0xF7A;
	s5 =	simm.s32 @!p2 $0x0  }
0x1d: {  	s5 =	simm.s32 @p1 $0x1;
	p0 =	seq.s32 s7, s2  }
0x1e: {  	s7 =	smul.u32 @!p0 $0xF7A, s2;
	p2 =	seq.s32 @!p0 s5, $0x0  }
0x1f: {  	s9 =	smul.u32 $0xF7A, s1;
	s8 =	simm.s32 @!p0 $0x1BF5;
	p2 =	por !p2, p0  }
0x20: {  	[sflag:s8] =	ssyncset.s32 @!p0 $0xFFFFF086;
	s6 =	sadd.s32 @!p0 s3, s7;
	s7 =	simm.s32 @!p0 $0x108  }
0x21: {  	s3 =	sadd.s32 s3, s9;
	s6 =	sadd.s32 @!p0 $0x88, s6;
	s7 =	simm.s32 @p2 $0x1082  }
0x22: {  	[simem:s7], [sflag:s8] =	dma.local @!p0 [hbm:s6], $0xF7A  }
0x23: {  	s9 =	sor.u32 $0xD0000000, s2;
	s6 =	simm.s32 $0x108;
	_ =	swait.ge @!p0 [sflag:s8], $0x0  }
0x24: {  	s3 =	sadd.s32 $0x88, s3;
	s6 =	simm.s32 @!p1 $0x1082;
	[sflag:s4] =	ssyncset.s32 $0xFFFFF086  }
0x25: {  	[simem:s6], [sflag:s4] =	dma.local [hbm:s3], $0xF7A  }
0x26: {  	[smem:$0x3F9D] =	sst s1;
	(tag) =	ssettag s2;
	_ =	strace s9  }
0x27: {  	s1 =	sld [smem:$0x3FAD]  }
0x28: {  	s2 =	sld [smem:$0x3FAE]  }
0x29: {  	s4 =	sld [smem:$0x3FB0]  }
0x2a: {  	p0 =	seq.s32 s5, $0x0;
	s5 =	sld [smem:$0x3FB1]  }
0x2b: {  	s6 =	sld [smem:$0x3FB2]  }
0x2c: {  	s7 =	sld [smem:$0x3FB3]  }
0x2d: {  	s3 =	simm.s32 $0x108;
	s8 =	sld [smem:$0x3FB4]  }
0x2e: {  	s3 =	simm.s32 @!p0 $0x1082;
	s9 =	sld [smem:$0x3FB5]  }
0x2f: {  	lr =	sadd.s32 s0, s3;
	s0 =	sld [smem:$0x3FAC]  }
0x30: {  	s3 =	sld [smem:$0x3FAF]  }
0x31: {  	[smem:$0x3FB8] =	sst s10  }
0x32: {  	s10 =	sld [smem:$0x3FB6];
	_ =	sdelay $0x3  }
0x33: {  	p0 =	seq.s32 s10, $0x1;
	s10 =	sld [smem:$0x3FB8];
	_ =	sdelay $0x3  }
0x34: {  	[smem:$0x3FB8] =	sst s10  }
0x35: {  	s10 =	sld [smem:$0x3FB7];
	_ =	sdelay $0x3  }
0x36: {  	p1 =	seq.s32 s10, $0x1;
	s10 =	sld [smem:$0x3FB8];
	_ =	sdelay $0x3  }
0x37: {  	[smem:$0x3FB8] =	sst s10  }
0x38: {  	s10 =	sld [smem:$0x3FB9]  }
0x39: {  	_ = 	snop;
	(pc) =	sbr.ind lr, $3  }
0x3a: {  	_ = 	snop  }
0x3b: {  	_ = 	snop  }
0x3c: {  	p2 =	seq.s32 s10, $0x1;
	s10 =	sld [smem:$0x3FB8]  }
0x3d: {  	_ =	shalt  }
0x3e: {  	_ =	shalt  }
0x3f: {  	_ =	shalt  }
0x40: {  	_ =	shalt  }
0x41: {  	_ =	shalt  }
0x42: {  	_ =	shalt  }
0x43: {  	_ =	shalt  }
0x44: {  	_ =	shalt  }
0x45: {  	_ =	shalt  }
0x46: {  	_ =	shalt  }
0x47: {  	_ =	shalt  }
0x48: {  	_ =	shalt  }
0x49: {  	_ =	shalt  }
0x4a: {  	_ =	shalt  }
0x4b: {  	_ =	shalt  }
0x4c: {  	_ =	shalt  }
0x4d: {  	_ =	shalt  }
0x4e: {  	_ =	shalt  }
0x4f: {  	_ =	shalt  }
0x50: {  	_ =	shalt  }
0x51: {  	_ =	shalt  }
0x52: {  	_ =	shalt  }
0x53: {  	_ =	shalt  }
0x54: {  	_ =	shalt  }
0x55: {  	_ =	shalt  }
0x56: {  	_ =	shalt  }
0x57: {  	_ =	shalt  }
0x58: {  	_ =	shalt  }
0x59: {  	_ =	shalt  }
0x5a: {  	_ =	shalt  }
0x5b: {  	_ =	shalt  }
0x5c: {  	_ =	shalt  }
0x5d: {  	_ =	shalt  }
0x5e: {  	_ =	shalt  }
0x5f: {  	_ =	shalt  }
0x60: {  	_ =	shalt  }
0x61: {  	_ =	shalt  }
0x62: {  	_ =	shalt  }
0x63: {  	_ =	shalt  }
0x64: {  	_ =	shalt  }
0x65: {  	_ =	shalt  }
0x66: {  	_ =	shalt  }
0x67: {  	_ =	shalt  }
0x68: {  	_ =	shalt  }
0x69: {  	_ =	shalt  }
0x6a: {  	_ =	shalt  }
0x6b: {  	_ =	shalt  }
0x6c: {  	_ =	shalt  }
0x6d: {  	_ =	shalt  }
0x6e: {  	_ =	shalt  }
0x6f: {  	_ =	shalt  }
0x70: {  	_ =	shalt  }
0x71: {  	_ =	shalt  }
0x72: {  	_ =	shalt  }
0x73: {  	_ =	shalt  }
0x74: {  	_ =	shalt  }
0x75: {  	_ =	shalt  }
0x76: {  	_ =	shalt  }
0x77: {  	_ =	shalt  }
0x78: {  	_ =	shalt  }
0x79: {  	_ =	shalt  }
0x7a: {  	_ =	shalt  }
0x7b: {  	_ =	shalt  }
0x7c: {  	_ =	shalt  }
0x7d: {  	_ =	shalt  }
0x7e: {  	_ =	shalt  }
0x7f: {  	_ =	shalt  }
0x80: {  	_ =	shalt  }
0x81: {  	_ =	shalt  }
0x82: {  	_ =	shalt  }
0x83: {  	_ =	shalt  }
0x84: {  	_ =	shalt  }
0x85: {  	_ =	shalt  }
0x86: {  	_ =	shalt  }
0x87: {  	_ =	shalt  }
.Lfunc_end0:
.L_simem_size_0:
called_computation_lowered:
.L_overlay_start_0:
0x88: {  	s2 =	sld [smem:$0x3FD9]  }
0x89: {  	s3 =	sld [smem:$0x3FFE];
	_ =	sdelay $0x1  }
0x8a: {  	s1 =	srdreg.scid  }
0x8b: {  	s0 =	sand.u32 $0x1, s1  }
0x8c: {  	s14 =	sshll.u32 s0, $0xA;
	s2 =	sadd.s32 s3, s2  }
0x8d: {  	s2 =	sadd.s32 s2, s14  }
0x8e: {  	[smem:$0x3FC4] =	sst s2  }
0x8f: {  	_ = 	snop  }
0x90: {  	s2 =	sld [smem:$0x3FD0];
	_ =	sdelay $0x1  }
0x91: {  	s15 =	sld [smem:$0x3FC7]  }
0x92: {  	s5 =	simm.s32 $0xA;
	s6 =	simm.s32 $0x10;
	s4 =	sld [smem:$0x3FC6]  }
0x93: {  	[smem:s6], [sflag:s5] =	dma.local [hbm:s2], $0x1  }
0x94: {  	_ =	swait.eq [sflag:s5], $0x1  }
0x95: {  	[sflag:s5] =	ssyncset.done $0x0  }
0x96: {  	s16 =	sld [smem:$0x10];
	[sflag:s5] =	ssyncadd.s32 $0xFFFFFFFF  }
0x97: {  	s17 =	sld [smem:$0x11];
	(tm) =	ssettm $0x1  }
0x98: {  	s18 =	sld [smem:$0x3FFB];
	_ =	sdelay $0x3  }
0x99: {  	_ =	strace s18  }
0x9a: {  	s6 =	sld [smem:$0x3FFC];
	_ =	sdelay $0x3  }
0x9b: {  	_ =	strace s6  }
0x9c: {  	s6 =	sld [smem:$0x3FFD];
	_ =	sdelay $0x3  }
0x9d: {  	_ =	strace s6  }
0x9e: {  	_ =	strace $0x8FFFFFFF  }
0x9f: {  	s19 =	sld [smem:$0x3FDB];
	_ =	sdelay $0x1  }
0xa0: {  	s7 =	simm.s32 $_scs_section_size  }
0xa1: {  	s8 =	simm.s32 $_size__tile_overlayer_lowered;
	s9 =	simm.s32 $_tile_overlayer_lowered  }
0xa2: {  	s22 =	simm.s32 $0x1BFF;
	s21 =	sshll.u32 s9, $0x1;
	s6 =	sadd.s32 s7, s19  }
0xa3: {  	s10 =	simm.s32 $0x0;
	s20 =	sshll.u32 s8, $0x1;
	s8 =	sadd.s32 s21, s6  }
0xa4: {  	[timem:s10], [sflag:s22] =	dma.local [hbm:s8], s20  }
0xa5: {  	_ =	swait.ge [sflag:s22], s20  }
0xa6: {  	s7 =	ssub.s32 $0x0, s20;
	[sflag:s22] =	ssyncset.done $0x0  }
0xa7: {  	[sflag:s22] =	ssyncadd.s32 s7;
	_ =	sdelay $0x1  }
0xa8: {  	s23 =	simm.s32 $0x1B8B  }
0xa9: {  	_ =	swait.ge [sflag:s23], $0x1  }
0xaa: {  	[sflag:s23] =	ssyncset.done $0x0  }
0xab: {  	s25 =	simm.s32 $0x1B8E;
	s24 =	sld [smem:$0x3FFE];
	[sflag:s23] =	ssyncadd.s32 $0xFFFFFFFF  }
0xac: {  	s26 =	simm.s32 $execute0_lowered;
	[smem:$0x3FD2] =	sst s25  }
0xad: {  	s8 =	sshll.u32 s26, $0x1;
	_ =	strace $0x80000046;
	[dreg:$0x1] =	wrdreg $0xFFFFFFFF  }
0xae: {  	s28 =	simm.s32 $_size_execute0_lowered;
	s6 =	sadd.s32 s6, s8;
	[dreg:$0x0] =	wrdreg $0x0  }
0xaf: {  	s8 =	sshll.u32 s28, $0x1;
	[dreg:$0x2] =	wrdreg s6  }
0xb0: {  	[dreg:$0x3] =	wrdreg s8  }
0xb1: {  	[dreg:$0x4] =	wrdreg $0xC0  }
0xb2: {  	_ =	task [dreg:s10], $0x5FFFF  }
0xb3: {  	[dreg:$0x1] =	wrdreg $0xFFFFFFFF  }
0xb4: {  	[dreg:$0x0] =	wrdreg $0x60  }
0xb5: {  	[dreg:$0x2] =	wrdreg s15  }
0xb6: {  	[dreg:$0x3] =	wrdreg s4  }
0xb7: {  	[dreg:$0x4] =	wrdreg s24  }
0xb8: {  	[dreg:$0x5] =	wrdreg s16  }
0xb9: {  	[dreg:$0x6] =	wrdreg s17  }
0xba: {  	[dreg:$0x7] =	wrdreg $0x9  }
0xbb: {  	_ =	task.clear_ibuf [dreg:s10], $0x8FFFF;
	_ =	strace $0x90000046  }
0xbc: {  	s29 =	simm.s32 $0x9;
	_ =	strace $0x80000048  }
0xbd: {  	_ =	swait.ge [sflag:s29], $0x1  }
0xbe: {  	[sflag:s29] =	ssyncadd.s32 $0xFFFFFFFF  }
0xbf: {  	_ =	strace $0x90000048  }
0xc0: {  	_ =	sfence  }
0xc1: {  	s30 =	sld [smem:$0x0];
	_ =	sdelay $0x2  }
0xc2: {  	s31 =	sshll.u32 s1, $0xD;
	s1 =	sshrl.u32 s1, $0x2  }
0xc3: {  	s3 =	sand.u32 $0x4000, s31;
	s1 =	sadd.s32 s1, s30  }
0xc4: {  	s0 =	sor.u32 s3, s0;
	s1 =	sshll.u32 s1, $0x11  }
0xc5: {  	s0 =	sor.u32 s1, s0  }
0xc6: {  	s0 =	sadd.s32 $0x8F2B, s0  }
0xc7: {  	[sflag:s0] =	ssyncadd.remote.s32 $0x1  }
0xc8: {  	_ =	sfence.sel $0xFFFF  }
0xc9: {  	[dreg:$0x0] =	wrdreg $0xFFFFFFFF;
	(pc) =	sbr.abs _section_cstart, $3  }
0xca: {  	[dreg:$0x1] =	wrdreg $0xFFFFFFFF  }
0xcb: {  	_ =	task.clear_ibuf [dreg:s10], $0x2FFFF;
	_ =	strace $0x9FFFFFFF  }
0xcc: {  	(tm) =	ssettm $0x7FFFFFFF  }
0xcd: {  	_ =	shalt  }
tec
execute0_lowered:
.L_overlay_start_1:
0x0: {  	(tag) =	ssettag $0x1  }
0x1: {  	s1 =	rddreg [dreg:$0x0]  }
0x2: {  	s2 =	rddreg [dreg:$0x1];
	s3 =	srdreg.scid  }
0x3: {  	s5 =	rddreg [dreg:$0x2];
	s0 =	stileid.u32;
	s12 =	sand.u32 $0x1, s3  }
0x4: {  	s13 =	rddreg [dreg:$0x3];
	s28 =	sshll.u32 s0, $0x6;
	s4 =	sshll.u32 s12, $0x5  }
0x5: {  	s14 =	rddreg [dreg:$0x4];
	s15 =	sor.u32 s4, s28  }
0x6: {  	s3 =	rddreg [dreg:$0x5];
	s4 =	simm.s32 $0x0;
	s16 =	sshrl.u32 s15, $0x3  }
0x7: {  	[smem:$0x7FF] =	sst s4;
	s5 =	sadd.s32 s16, s5  }
0x8: {  	_ =	strace $0x80000047;
	s6 =	sadd.s32 $0xE00, s5;
	s5 =	simm.s32 $0x3  }
0x9: {  	[tilespmem:s4], [sflag:$0x3] =	stream.linear.gather [hbm4b:s6+s4], $0x20, $0x38;
	[tilespmem:$0x1100] =	vst v63  }
0xa: {  	_ =	swait.ge [sflag:s5], $0x20  }
0xb: {  	[sflag:s5] =	ssyncset.done $0x0  }
0xc: {  	s7 =	simm.s32 $0x20;
	s8 =	simm.s32 $0x80;
	[sflag:s5] =	ssyncadd.s32 $0xFFFFFFE0  }
0xd: {  	[tilespmem:s8], [sflag:$0x1] =	stream.indirect.gather [hbm4b:s1+s7], $0x80, s4, s7, $0xb8;
	[tilespmem:$0x1100] =	vst v63  }
0xe: {  	s9 =	simm.s32 $0x1080;
	s10 =	simm.s32 $0x1  }
0xf: {  	[tilespmem:s9], [sflag:$0x2] =	stream.indirect.gather [hbm4b:s2+s7], $0x1, s4, s7, $0xb8;
	[tilespmem:$0x1100] =	vst v63  }
0x10: {  	_ =	swait.ge [sflag:s10], $0x1000  }
0x11: {  	[sflag:s10] =	ssyncset.done $0x0  }
0x12: {  	s11 =	simm.s32 $0x2;
	s17 =	ssub.s32 $0x2, s12;
	[sflag:s10] =	ssyncadd.s32 $0xFFFFF000  }
0x13: {  	s29 =	sshrl.u32 s17, $0x1;
	_ =	swait.ge [sflag:s11], $0x20  }
0x14: {  	s15 =	sshll.u32 s15, $0x4;
	s30 =	ssub.s32 s17, s29;
	[sflag:s11] =	ssyncset.done $0x0  }
0x15: {  	s12 =	sadd.s32 s13, s15;
	s31 =	smax.u32 s30, $0x1;
	[sflag:s11] =	ssyncadd.s32 $0xFFFFFFE0  }
0x16: {  	[hbm4b:s12+s4] =	stream.linear.scatter [tilespmem:s8], [sflag:$0x3], $0x1000, $0x38;
	[tilespmem:$0x1100] =	vst v63  }
0x17: {  	p0 =	sne.s32 s31, $0x1;
	_ =	swait.ge [sflag:s5], $0x1000  }
.Ltmp0:
0x18: {  	[sflag:s5] =	ssyncset.done $0x0;
	(pc) =	sbr.rel @!p0 .LBB2_2-.Ltmp0, $4  }
0x19: {  	s13 =	sadd.s32 s14, s16;
	[sflag:s5] =	ssyncadd.s32 $0xFFFFF000  }
0x1a: {  	[hbm4b:s13+s4] =	stream.linear.scatter [tilespmem:s9], [sflag:$0x3], $0x20, $0x38;
	[tilespmem:$0x1100] =	vst v63  }
0x1b: {  	_ =	swait.ge [sflag:s5], $0x20  }
0x1c: {  	s14 =	sadd.s32 $0xFFFFFFFF, s31;
	[sflag:s5] =	ssyncset.done $0x0  }
.LBB2_1:
0x1d: {  	p0 =	sne.s32 s14, $0x1;
	s14 =	sadd.s32 $0xFFFFFFFF, s14;
	[sflag:s5] =	ssyncadd.s32 $0xFFFFFFE0  }
0x1e: {  	[tilespmem:s4], [sflag:$0x3] =	stream.linear.gather [hbm4b:s6+s4], $0x20, $0x38;
	[tilespmem:$0x1100] =	vst v63  }
0x1f: {  	_ =	swait.ge [sflag:s5], $0x20  }
0x20: {  	[sflag:s5] =	ssyncset.done $0x0  }
0x21: {  	[sflag:s5] =	ssyncadd.s32 $0xFFFFFFE0  }
0x22: {  	[tilespmem:s8], [sflag:$0x1] =	stream.indirect.gather [hbm4b:s1+s7], $0x80, s4, s7, $0xb8;
	[tilespmem:$0x1100] =	vst v63  }
0x23: {  	_ = 	snop  }
0x24: {  	[tilespmem:s9], [sflag:$0x2] =	stream.indirect.gather [hbm4b:s2+s7], $0x1, s4, s7, $0xb8;
	[tilespmem:$0x1100] =	vst v63  }
0x25: {  	_ =	swait.ge [sflag:s10], $0x1000  }
0x26: {  	[sflag:s10] =	ssyncset.done $0x0  }
0x27: {  	[sflag:s10] =	ssyncadd.s32 $0xFFFFF000  }
0x28: {  	_ =	swait.ge [sflag:s11], $0x20  }
0x29: {  	[sflag:s11] =	ssyncset.done $0x0  }
0x2a: {  	[sflag:s11] =	ssyncadd.s32 $0xFFFFFFE0  }
0x2b: {  	[hbm4b:s12+s4] =	stream.linear.scatter [tilespmem:s8], [sflag:$0x3], $0x1000, $0x38;
	[tilespmem:$0x1100] =	vst v63  }
0x2c: {  	_ =	swait.ge [sflag:s5], $0x1000  }
.Ltmp1:
0x2d: {  	[sflag:s5] =	ssyncset.done $0x0;
	(pc) =	sbr.rel @p0 .LBB2_1-.Ltmp1, $4  }
0x2e: {  	[sflag:s5] =	ssyncadd.s32 $0xFFFFF000  }
0x2f: {  	[hbm4b:s13+s4] =	stream.linear.scatter [tilespmem:s9], [sflag:$0x3], $0x20, $0x38;
	[tilespmem:$0x1100] =	vst v63  }
0x30: {  	_ =	swait.ge [sflag:s5], $0x20  }
0x31: {  	[sflag:s5] =	ssyncset.done $0x0  }
.LBB2_2:
0x32: {  	[sflag:s5] =	ssyncadd.s32 $0xFFFFFFE0  }
0x33: {  	_ =	sfence.sel $0x180000  }
0x34: {  	[bflag:$0x0] =	sbarrier.arrive $0xFFFF  }
0x35: {  	p0 =	sne.s32 s0, $0x0;
	_ =	strace $0x90000047  }
0x36: {  	s0 =	sadd.s32 @!p0 $0x100000, s3;
	[bflag:$0x2] =	sbarrier.arrive $0xFFFF  }
0x37: {  	[sflag:s0] =	ssyncadd.tile.s32 @!p0 $0x1;
	_ =	shalt  }
.Lfunc_end2:
_tile_overlayer_lowered:
.L_overlay_start_2:
0x38: {  	(tag) =	ssettag $0x2  }
0x39: {  	s0 =	rddreg [dreg:$0x0];
	s2 =	stileid.u32  }
0x3a: {  	s1 =	rddreg [dreg:$0x1];
	p0 =	sne.s32 s2, $0x0  }
0x3b: {  	s3 =	rddreg [dreg:$0x2];
	[bflag:$0x3] =	sbarrier.arrive $0xFFFF;
	s2 =	simm.s32 @!p0 $0x1C03  }
0x3c: {  	[timem:s3], [sflag:s2] =	dma.local @!p0 [hbm:s0], s1  }
0x3d: {  	s0 =	simm.s32 @!p0 $0x3  }
0x3e: {  	_ =	swait.ge @!p0 [sflag:s0], s1  }
0x3f: {  	s1 =	ssub.s32 @!p0 $0x0, s1;
	[sflag:s0] =	ssyncset.done @!p0 $0x0  }
0x40: {  	[sflag:s0] =	ssyncadd.s32 @!p0 s1  }
0x41: {  	[bflag:$0x3] =	sbarrier.arrive $0xFFFF  }
0x42: {  	_ =	shalt  }

</sc_bundles>
